<compile_context>
chip_gen: v7x
topology: tpu7x:2x2x1
jax: 0.10.2.dev20260603
libtpu: 0.0.44.dev20260713+nightly
codegen_flags: <defaults>
</compile_context>

<pallas_src>
import functools

import jax
import jax.numpy as jnp
import numpy as np
from jax import lax
from jax.experimental import pallas as pl
from jax.experimental.pallas import tpu as pltpu
from jax.experimental.pallas import tpu_sc as plsc

_info = plsc.get_sparse_core_info()
_NC, _NS, _L = _info.num_cores, _info.num_subcores, _info.num_lanes


def _build_mask_sc(mask_inds, B, F, M, scale):
    mesh = plsc.VectorSubcoreMesh(core_axis_name="c", subcore_axis_name="s")
    nw = _NC * _NS
    rpb = nw // B
    fw = F // rpb

    @functools.partial(
        pl.kernel,
        mesh=mesh,
        out_type=jax.ShapeDtypeStruct((B, 1, F), jnp.float32),
        scratch_types=[
            pltpu.VMEM((M,), jnp.int32),
            pltpu.VMEM((fw,), jnp.float32),
        ],
        compiler_params=pltpu.CompilerParams(needs_layout_passes=False),
    )
    def mask_kernel(inds_hbm, out_hbm, idx_v, mask_v):
        wid = lax.axis_index("s") * _NC + lax.axis_index("c")
        b = wid // rpb
        lo = (wid % rpb) * fw
        pltpu.sync_copy(inds_hbm.at[b], idx_v)
        for i in range(fw // _L):
            mask_v[pl.ds(i * _L, _L)] = jnp.full((_L,), scale, jnp.float32)
        for j in range(M // _L):
            idx = idx_v[pl.ds(j * _L, _L)]
            local = idx - lo
            inrange = (idx >= lo) & (idx < lo + fw)
            plsc.store_scatter(
                mask_v, [local], jnp.zeros((_L,), jnp.float32), mask=inrange
            )
        pltpu.sync_copy(mask_v, out_hbm.at[b, 0, pl.ds(lo, fw)])

    return mask_kernel(mask_inds)


def _apply_mask_tc(inputs, mask3, B, S, F, sb):

    def body(x_ref, m_ref, o_ref):
        o_ref[...] = x_ref[...] * m_ref[...]

    return pl.pallas_call(
        body,
        grid=(B, S // sb),
        in_specs=[
            pl.BlockSpec((1, sb, F), lambda b, s: (b, s, 0)),
            pl.BlockSpec((1, 1, F), lambda b, s: (b, 0, 0)),
        ],
        out_specs=pl.BlockSpec((1, sb, F), lambda b, s: (b, s, 0)),
        out_shape=jax.ShapeDtypeStruct((B, S, F), jnp.float32),
    )(inputs, mask3)


def kernel(inputs, mask_inds):
    B, S, F = inputs.shape
    M = mask_inds.shape[-1]
    scale = np.float32(1.0 / ((F - M) / F))
    mask3 = _build_mask_sc(mask_inds, B, F, M, scale)
    return _apply_mask_tc(inputs, mask3, B, S, F, sb=1024)

# --- scband reference (transcript-rebuilt; emitter-appended) ---
"""Pipeline reference for scband-custom-seq-dropout-86045374808988 (READ-ONLY COPY).

The authoritative reference and input builder live on the scoring server;
editing this copy changes nothing except your own understanding.
"""

import jax, jax.numpy as jnp
import numpy as np


def setup_inputs(seed: int = 0) -> dict:
    key = jax.random.key(seed)
    k1, k2 = jax.random.split(key)
    inputs = jax.random.normal(k1, (4, 4096, 2048), dtype=jnp.float32)
    mask_inds = jax.random.randint(k2, (4, 256), 0, 2048, dtype=jnp.int32)
    return {"inputs": inputs, "mask_inds": mask_inds}


def reference(inputs, mask_inds):
    # Training-phase path of CustomSeqDropout.dropped_inputs
    B, S, F = inputs.shape
    M = mask_inds.shape[-1]
    # tile mask_inds across the sequence dimension: [B, S, M]
    nmask_inds = jnp.tile(mask_inds[:, None, :], (1, S, 1))
    i1, i2 = jnp.meshgrid(jnp.arange(B), jnp.arange(S), indexing='ij')
    i1 = jnp.tile(i1[:, :, None], (1, 1, M))
    i2 = jnp.tile(i2[:, :, None], (1, 1, M))
    # tf.scatter_nd with ones updates (duplicate indices accumulate)
    scat = jnp.zeros((B, S, F), dtype=jnp.int32).at[i1, i2, nmask_inds].add(
        jnp.ones_like(nmask_inds, dtype=jnp.int32))
    mask = jnp.equal(scat, 0).astype(jnp.float32)
    keep_prob = (F - M) / F
    scale = jnp.float32(1.0 / keep_prob)
    ret = inputs * scale * mask
    return ret

if __name__ == "__main__":
    import jax
    _d = setup_inputs()
    print(jax.jit(kernel)(*tuple(_d.values())))

</pallas_src>

<mosaic_0001>
#map = affine_map<(d0, d1) -> (0, 0)>
#map1 = affine_map<(d0, d1) -> (0, 0, 0)>
module attributes {stable_mosaic.version = 14 : i64} {
  func.func @mask_kernel(%arg0: i32, %arg1: i32, %arg2: memref<4x256xi32, #tpu.memory_space<hbm>>, %arg3: memref<4x1x2048xf32, #tpu.memory_space<hbm>>, %arg4: memref<256xi32, #tpu.memory_space<vmem>>, %arg5: memref<256xf32, #tpu.memory_space<vmem>>) attributes {dimension_semantics = [#tpu.dimension_semantics<core_parallel>, #tpu.dimension_semantics<subcore_parallel>], iteration_bounds = array<i64: 2, 16>, scalar_prefetch = 0 : i64, scratch_operands = 2 : i64, tpu.core_type = #tpu.core_type<sc_vector_subcore>, window_params = [{transform_indices = #map}, {transform_indices = #map1}]} {
    %mul3A = arith.constant 2 : i32
    %mul3A_0 = arith.muli %arg1, %mul3A : i32
    %add3A = arith.addi %mul3A_0, %arg0 : i32
    %jit3A = arith.constant 8 : i32
    %div3A = arith.divsi %add3A, %jit3A : i32
    %sign3A = arith.constant 0 : i32
    %sign3A_1 = arith.cmpi sgt, %add3A, %sign3A : i32
    %sign3A_2 = arith.extui %sign3A_1 : i1 to i32
    %sign3A_3 = arith.constant 0 : i32
    %sign3A_4 = arith.cmpi slt, %add3A, %sign3A_3 : i32
    %sign3A_5 = arith.extui %sign3A_4 : i1 to i32
    %sign3A_6 = arith.subi %sign3A_2, %sign3A_5 : i32
    %sign3A_7 = arith.constant 0 : i32
    %sign3A_8 = arith.cmpi sgt, %jit3A, %sign3A_7 : i32
    %sign3A_9 = arith.extui %sign3A_8 : i1 to i32
    %sign3A_10 = arith.constant 0 : i32
    %sign3A_11 = arith.cmpi slt, %jit3A, %sign3A_10 : i32
    %sign3A_12 = arith.extui %sign3A_11 : i1 to i32
    %sign3A_13 = arith.subi %sign3A_9, %sign3A_12 : i32
    %ne3A = arith.cmpi ne, %sign3A_6, %sign3A_13 : i32
    %rem3A = arith.remsi %add3A, %jit3A : i32
    %ne3A_14 = arith.constant 0 : i32
    %ne3A_15 = arith.cmpi ne, %rem3A, %ne3A_14 : i32
    %and3A = arith.andi %ne3A, %ne3A_15 : i1
    %sub3A = arith.constant 1 : i32
    %sub3A_16 = arith.subi %div3A, %sub3A : i32
    %select_n3A = arith.select %and3A, %sub3A_16, %div3A : i32
    %jit3A_17 = arith.constant 8 : i32
    %eq3A = arith.constant 0 : i32
    %eq3A_18 = arith.cmpi eq, %jit3A_17, %eq3A : i32
    %jit3A_19 = arith.constant 1 : i32
    %select_n3A_20 = arith.select %eq3A_18, %jit3A_19, %jit3A_17 : i32
    %rem3A_21 = arith.remsi %add3A, %select_n3A_20 : i32
    %ne3A_22 = arith.constant 0 : i32
    %ne3A_23 = arith.cmpi ne, %rem3A_21, %ne3A_22 : i32
    %lt3A = arith.constant 0 : i32
    %lt3A_24 = arith.cmpi slt, %rem3A_21, %lt3A : i32
    %lt3A_25 = arith.constant 0 : i32
    %lt3A_26 = arith.cmpi slt, %select_n3A_20, %lt3A_25 : i32
    %ne3A_27 = arith.xori %lt3A_24, %lt3A_26 : i1
    %and3A_28 = arith.andi %ne3A_27, %ne3A_23 : i1
    %add3A_29 = arith.addi %rem3A_21, %select_n3A_20 : i32
    %select_n3A_30 = arith.select %and3A_28, %add3A_29, %rem3A_21 : i32
    %mul3A_31 = arith.constant 256 : i32
    %mul3A_32 = arith.muli %select_n3A_30, %mul3A_31 : i32
    "tpu.region"() ({
      %run_scoped3A_301 = tpu.sem_alloc : memref<!tpu.dma_semaphore, #tpu.memory_space<semaphore_mem>>
      %dma_start3A = arith.constant 0 : i32
      %dma_start3A_302 = tpu.memref_slice %arg2[%select_n3A, %dma_start3A] : memref<4x256xi32, #tpu.memory_space<hbm>> -> memref<1x256xi32, #tpu.memory_space<hbm>>
      %dma_start3A_303 = tpu.memref_squeeze %dma_start3A_302 : memref<1x256xi32, #tpu.memory_space<hbm>> -> memref<256xi32, #tpu.memory_space<hbm>>
      %dma_start3A_304 = arith.constant 0 : i32
      %dma_start3A_305 = tpu.memref_slice %arg2[%select_n3A, %dma_start3A_304] : memref<4x256xi32, #tpu.memory_space<hbm>> -> memref<1x256xi32, #tpu.memory_space<hbm>>
      %dma_start3A_306 = tpu.memref_squeeze %dma_start3A_305 : memref<1x256xi32, #tpu.memory_space<hbm>> -> memref<256xi32, #tpu.memory_space<hbm>>
      tpu.enqueue_dma source(%dma_start3A_306 : memref<256xi32, #tpu.memory_space<hbm>>) target(%arg4 : memref<256xi32, #tpu.memory_space<vmem>>) target_semaphore(%run_scoped3A_301 : memref<!tpu.dma_semaphore, #tpu.memory_space<semaphore_mem>>)
      %dma_wait3A = arith.constant 0 : i32
      %dma_wait3A_307 = tpu.memref_slice %arg2[%select_n3A, %dma_wait3A] : memref<4x256xi32, #tpu.memory_space<hbm>> -> memref<1x256xi32, #tpu.memory_space<hbm>>
      %dma_wait3A_308 = tpu.memref_squeeze %dma_wait3A_307 : memref<1x256xi32, #tpu.memory_space<hbm>> -> memref<256xi32, #tpu.memory_space<hbm>>
      %dma_wait3A_309 = arith.constant 0 : i32
      %dma_wait3A_310 = tpu.memref_slice %arg2[%select_n3A, %dma_wait3A_309] : memref<4x256xi32, #tpu.memory_space<hbm>> -> memref<1x256xi32, #tpu.memory_space<hbm>>
      %dma_wait3A_311 = tpu.memref_squeeze %dma_wait3A_310 : memref<1x256xi32, #tpu.memory_space<hbm>> -> memref<256xi32, #tpu.memory_space<hbm>>
      tpu.wait_dma2 semaphore(%run_scoped3A_301 : memref<!tpu.dma_semaphore, #tpu.memory_space<semaphore_mem>>) src(%dma_wait3A_311 : memref<256xi32, #tpu.memory_space<hbm>>) dst(%arg4 : memref<256xi32, #tpu.memory_space<vmem>>)
      tpu.yield
    }) : () -> ()
    %broadcast_in_dim3A = arith.constant 1.14285719 : f32
    %broadcast_in_dim3A_33 = vector.broadcast %broadcast_in_dim3A : f32 to vector<16xf32>
    %swap3A = arith.constant 0 : index
    %swap3A_34 = tpu.vector_load %arg5[%swap3A] {strides = array<i32>} : memref<256xf32, #tpu.memory_space<vmem>>, vector<16xf32>,
    tpu.vector_store %arg5[%swap3A], %broadcast_in_dim3A_33 {strides = array<i32>} : memref<256xf32, #tpu.memory_space<vmem>>, vector<16xf32>,
    %broadcast_in_dim3A_35 = arith.constant 1.14285719 : f32
    %broadcast_in_dim3A_36 = vector.broadcast %broadcast_in_dim3A_35 : f32 to vector<16xf32>
    %swap3A_37 = arith.constant 16 : index
    %swap3A_38 = tpu.vector_load %arg5[%swap3A_37] {strides = array<i32>} : memref<256xf32, #tpu.memory_space<vmem>>, vector<16xf32>,
    tpu.vector_store %arg5[%swap3A_37], %broadcast_in_dim3A_36 {strides = array<i32>} : memref<256xf32, #tpu.memory_space<vmem>>, vector<16xf32>,
    %broadcast_in_dim3A_39 = arith.constant 1.14285719 : f32
    %broadcast_in_dim3A_40 = vector.broadcast %broadcast_in_dim3A_39 : f32 to vector<16xf32>
    %swap3A_41 = arith.constant 32 : index
    %swap3A_42 = tpu.vector_load %arg5[%swap3A_41] {strides = array<i32>} : memref<256xf32, #tpu.memory_space<vmem>>, vector<16xf32>,
    tpu.vector_store %arg5[%swap3A_41], %broadcast_in_dim3A_40 {strides = array<i32>} : memref<256xf32, #tpu.memory_space<vmem>>, vector<16xf32>,
    %broadcast_in_dim3A_43 = arith.constant 1.14285719 : f32
    %broadcast_in_dim3A_44 = vector.broadcast %broadcast_in_dim3A_43 : f32 to vector<16xf32>
    %swap3A_45 = arith.constant 48 : index
    %swap3A_46 = tpu.vector_load %arg5[%swap3A_45] {strides = array<i32>} : memref<256xf32, #tpu.memory_space<vmem>>, vector<16xf32>,
    tpu.vector_store %arg5[%swap3A_45], %broadcast_in_dim3A_44 {strides = array<i32>} : memref<256xf32, #tpu.memory_space<vmem>>, vector<16xf32>,
    %broadcast_in_dim3A_47 = arith.constant 1.14285719 : f32
    %broadcast_in_dim3A_48 = vector.broadcast %broadcast_in_dim3A_47 : f32 to vector<16xf32>
    %swap3A_49 = arith.constant 64 : index
    %swap3A_50 = tpu.vector_load %arg5[%swap3A_49] {strides = array<i32>} : memref<256xf32, #tpu.memory_space<vmem>>, vector<16xf32>,
    tpu.vector_store %arg5[%swap3A_49], %broadcast_in_dim3A_48 {strides = array<i32>} : memref<256xf32, #tpu.memory_space<vmem>>, vector<16xf32>,
    %broadcast_in_dim3A_51 = arith.constant 1.14285719 : f32
    %broadcast_in_dim3A_52 = vector.broadcast %broadcast_in_dim3A_51 : f32 to vector<16xf32>
    %swap3A_53 = arith.constant 80 : index
    %swap3A_54 = tpu.vector_load %arg5[%swap3A_53] {strides = array<i32>} : memref<256xf32, #tpu.memory_space<vmem>>, vector<16xf32>,
    tpu.vector_store %arg5[%swap3A_53], %broadcast_in_dim3A_52 {strides = array<i32>} : memref<256xf32, #tpu.memory_space<vmem>>, vector<16xf32>,
    %broadcast_in_dim3A_55 = arith.constant 1.14285719 : f32
    %broadcast_in_dim3A_56 = vector.broadcast %broadcast_in_dim3A_55 : f32 to vector<16xf32>
    %swap3A_57 = arith.constant 96 : index
    %swap3A_58 = tpu.vector_load %arg5[%swap3A_57] {strides = array<i32>} : memref<256xf32, #tpu.memory_space<vmem>>, vector<16xf32>,
    tpu.vector_store %arg5[%swap3A_57], %broadcast_in_dim3A_56 {strides = array<i32>} : memref<256xf32, #tpu.memory_space<vmem>>, vector<16xf32>,
    %broadcast_in_dim3A_59 = arith.constant 1.14285719 : f32
    %broadcast_in_dim3A_60 = vector.broadcast %broadcast_in_dim3A_59 : f32 to vector<16xf32>
    %swap3A_61 = arith.constant 112 : index
    %swap3A_62 = tpu.vector_load %arg5[%swap3A_61] {strides = array<i32>} : memref<256xf32, #tpu.memory_space<vmem>>, vector<16xf32>,
    tpu.vector_store %arg5[%swap3A_61], %broadcast_in_dim3A_60 {strides = array<i32>} : memref<256xf32, #tpu.memory_space<vmem>>, vector<16xf32>,
    %broadcast_in_dim3A_63 = arith.constant 1.14285719 : f32
    %broadcast_in_dim3A_64 = vector.broadcast %broadcast_in_dim3A_63 : f32 to vector<16xf32>
    %swap3A_65 = arith.constant 128 : index
    %swap3A_66 = tpu.vector_load %arg5[%swap3A_65] {strides = array<i32>} : memref<256xf32, #tpu.memory_space<vmem>>, vector<16xf32>,
    tpu.vector_store %arg5[%swap3A_65], %broadcast_in_dim3A_64 {strides = array<i32>} : memref<256xf32, #tpu.memory_space<vmem>>, vector<16xf32>,
    %broadcast_in_dim3A_67 = arith.constant 1.14285719 : f32
    %broadcast_in_dim3A_68 = vector.broadcast %broadcast_in_dim3A_67 : f32 to vector<16xf32>
    %swap3A_69 = arith.constant 144 : index
    %swap3A_70 = tpu.vector_load %arg5[%swap3A_69] {strides = array<i32>} : memref<256xf32, #tpu.memory_space<vmem>>, vector<16xf32>,
    tpu.vector_store %arg5[%swap3A_69], %broadcast_in_dim3A_68 {strides = array<i32>} : memref<256xf32, #tpu.memory_space<vmem>>, vector<16xf32>,
    %broadcast_in_dim3A_71 = arith.constant 1.14285719 : f32
    %broadcast_in_dim3A_72 = vector.broadcast %broadcast_in_dim3A_71 : f32 to vector<16xf32>
    %swap3A_73 = arith.constant 160 : index
    %swap3A_74 = tpu.vector_load %arg5[%swap3A_73] {strides = array<i32>} : memref<256xf32, #tpu.memory_space<vmem>>, vector<16xf32>,
    tpu.vector_store %arg5[%swap3A_73], %broadcast_in_dim3A_72 {strides = array<i32>} : memref<256xf32, #tpu.memory_space<vmem>>, vector<16xf32>,
    %broadcast_in_dim3A_75 = arith.constant 1.14285719 : f32
    %broadcast_in_dim3A_76 = vector.broadcast %broadcast_in_dim3A_75 : f32 to vector<16xf32>
    %swap3A_77 = arith.constant 176 : index
    %swap3A_78 = tpu.vector_load %arg5[%swap3A_77] {strides = array<i32>} : memref<256xf32, #tpu.memory_space<vmem>>, vector<16xf32>,
    tpu.vector_store %arg5[%swap3A_77], %broadcast_in_dim3A_76 {strides = array<i32>} : memref<256xf32, #tpu.memory_space<vmem>>, vector<16xf32>,
    %broadcast_in_dim3A_79 = arith.constant 1.14285719 : f32
    %broadcast_in_dim3A_80 = vector.broadcast %broadcast_in_dim3A_79 : f32 to vector<16xf32>
    %swap3A_81 = arith.constant 192 : index
    %swap3A_82 = tpu.vector_load %arg5[%swap3A_81] {strides = array<i32>} : memref<256xf32, #tpu.memory_space<vmem>>, vector<16xf32>,
    tpu.vector_store %arg5[%swap3A_81], %broadcast_in_dim3A_80 {strides = array<i32>} : memref<256xf32, #tpu.memory_space<vmem>>, vector<16xf32>,
    %broadcast_in_dim3A_83 = arith.constant 1.14285719 : f32
    %broadcast_in_dim3A_84 = vector.broadcast %broadcast_in_dim3A_83 : f32 to vector<16xf32>
    %swap3A_85 = arith.constant 208 : index
    %swap3A_86 = tpu.vector_load %arg5[%swap3A_85] {strides = array<i32>} : memref<256xf32, #tpu.memory_space<vmem>>, vector<16xf32>,
    tpu.vector_store %arg5[%swap3A_85], %broadcast_in_dim3A_84 {strides = array<i32>} : memref<256xf32, #tpu.memory_space<vmem>>, vector<16xf32>,
    %broadcast_in_dim3A_87 = arith.constant 1.14285719 : f32
    %broadcast_in_dim3A_88 = vector.broadcast %broadcast_in_dim3A_87 : f32 to vector<16xf32>
    %swap3A_89 = arith.constant 224 : index
    %swap3A_90 = tpu.vector_load %arg5[%swap3A_89] {strides = array<i32>} : memref<256xf32, #tpu.memory_space<vmem>>, vector<16xf32>,
    tpu.vector_store %arg5[%swap3A_89], %broadcast_in_dim3A_88 {strides = array<i32>} : memref<256xf32, #tpu.memory_space<vmem>>, vector<16xf32>,
    %broadcast_in_dim3A_91 = arith.constant 1.14285719 : f32
    %broadcast_in_dim3A_92 = vector.broadcast %broadcast_in_dim3A_91 : f32 to vector<16xf32>
    %swap3A_93 = arith.constant 240 : index
    %swap3A_94 = tpu.vector_load %arg5[%swap3A_93] {strides = array<i32>} : memref<256xf32, #tpu.memory_space<vmem>>, vector<16xf32>,
    tpu.vector_store %arg5[%swap3A_93], %broadcast_in_dim3A_92 {strides = array<i32>} : memref<256xf32, #tpu.memory_space<vmem>>, vector<16xf32>,
    %get3A = arith.constant 0 : index
    %get3A_95 = tpu.vector_load %arg4[%get3A] {strides = array<i32>} : memref<256xi32, #tpu.memory_space<vmem>>, vector<16xi32>,
    %sub3A_96 = vector.broadcast %mul3A_32 : i32 to vector<16xi32>
    %sub3A_97 = arith.subi %get3A_95, %sub3A_96 : vector<16xi32>
    %ge3A = vector.broadcast %mul3A_32 : i32 to vector<16xi32>
    %ge3A_98 = arith.cmpi sge, %get3A_95, %ge3A : vector<16xi32>
    %add3A_99 = arith.constant 256 : i32
    %add3A_100 = arith.addi %mul3A_32, %add3A_99 : i32
    %lt3A_101 = vector.broadcast %add3A_100 : i32 to vector<16xi32>
    %lt3A_102 = arith.cmpi slt, %get3A_95, %lt3A_101 : vector<16xi32>
    %and3A_103 = arith.andi %ge3A_98, %lt3A_102 : vector<16xi1>
    %broadcast_in_dim3A_104 = arith.constant 0.000000e+00 : f32
    %broadcast_in_dim3A_105 = vector.broadcast %broadcast_in_dim3A_104 : f32 to vector<16xf32>
    tpu.vector_store_idx %arg5[%sub3A_97], %broadcast_in_dim3A_105 masked %and3A_103 : memref<256xf32, #tpu.memory_space<vmem>>[vector<16xi32>], vector<16xf32>, vector<16xi1>
    %get3A_106 = arith.constant 16 : index
    %get3A_107 = tpu.vector_load %arg4[%get3A_106] {strides = array<i32>} : memref<256xi32, #tpu.memory_space<vmem>>, vector<16xi32>,
    %sub3A_108 = vector.broadcast %mul3A_32 : i32 to vector<16xi32>
    %sub3A_109 = arith.subi %get3A_107, %sub3A_108 : vector<16xi32>
    %ge3A_110 = vector.broadcast %mul3A_32 : i32 to vector<16xi32>
    %ge3A_111 = arith.cmpi sge, %get3A_107, %ge3A_110 : vector<16xi32>
    %add3A_112 = arith.constant 256 : i32
    %add3A_113 = arith.addi %mul3A_32, %add3A_112 : i32
    %lt3A_114 = vector.broadcast %add3A_113 : i32 to vector<16xi32>
    %lt3A_115 = arith.cmpi slt, %get3A_107, %lt3A_114 : vector<16xi32>
    %and3A_116 = arith.andi %ge3A_111, %lt3A_115 : vector<16xi1>
    %broadcast_in_dim3A_117 = arith.constant 0.000000e+00 : f32
    %broadcast_in_dim3A_118 = vector.broadcast %broadcast_in_dim3A_117 : f32 to vector<16xf32>
    tpu.vector_store_idx %arg5[%sub3A_109], %broadcast_in_dim3A_118 masked %and3A_116 : memref<256xf32, #tpu.memory_space<vmem>>[vector<16xi32>], vector<16xf32>, vector<16xi1>
    %get3A_119 = arith.constant 32 : index
    %get3A_120 = tpu.vector_load %arg4[%get3A_119] {strides = array<i32>} : memref<256xi32, #tpu.memory_space<vmem>>, vector<16xi32>,
    %sub3A_121 = vector.broadcast %mul3A_32 : i32 to vector<16xi32>
    %sub3A_122 = arith.subi %get3A_120, %sub3A_121 : vector<16xi32>
    %ge3A_123 = vector.broadcast %mul3A_32 : i32 to vector<16xi32>
    %ge3A_124 = arith.cmpi sge, %get3A_120, %ge3A_123 : vector<16xi32>
    %add3A_125 = arith.constant 256 : i32
    %add3A_126 = arith.addi %mul3A_32, %add3A_125 : i32
    %lt3A_127 = vector.broadcast %add3A_126 : i32 to vector<16xi32>
    %lt3A_128 = arith.cmpi slt, %get3A_120, %lt3A_127 : vector<16xi32>
    %and3A_129 = arith.andi %ge3A_124, %lt3A_128 : vector<16xi1>
    %broadcast_in_dim3A_130 = arith.constant 0.000000e+00 : f32
    %broadcast_in_dim3A_131 = vector.broadcast %broadcast_in_dim3A_130 : f32 to vector<16xf32>
    tpu.vector_store_idx %arg5[%sub3A_122], %broadcast_in_dim3A_131 masked %and3A_129 : memref<256xf32, #tpu.memory_space<vmem>>[vector<16xi32>], vector<16xf32>, vector<16xi1>
    %get3A_132 = arith.constant 48 : index
    %get3A_133 = tpu.vector_load %arg4[%get3A_132] {strides = array<i32>} : memref<256xi32, #tpu.memory_space<vmem>>, vector<16xi32>,
    %sub3A_134 = vector.broadcast %mul3A_32 : i32 to vector<16xi32>
    %sub3A_135 = arith.subi %get3A_133, %sub3A_134 : vector<16xi32>
    %ge3A_136 = vector.broadcast %mul3A_32 : i32 to vector<16xi32>
    %ge3A_137 = arith.cmpi sge, %get3A_133, %ge3A_136 : vector<16xi32>
    %add3A_138 = arith.constant 256 : i32
    %add3A_139 = arith.addi %mul3A_32, %add3A_138 : i32
    %lt3A_140 = vector.broadcast %add3A_139 : i32 to vector<16xi32>
    %lt3A_141 = arith.cmpi slt, %get3A_133, %lt3A_140 : vector<16xi32>
    %and3A_142 = arith.andi %ge3A_137, %lt3A_141 : vector<16xi1>
    %broadcast_in_dim3A_143 = arith.constant 0.000000e+00 : f32
    %broadcast_in_dim3A_144 = vector.broadcast %broadcast_in_dim3A_143 : f32 to vector<16xf32>
    tpu.vector_store_idx %arg5[%sub3A_135], %broadcast_in_dim3A_144 masked %and3A_142 : memref<256xf32, #tpu.memory_space<vmem>>[vector<16xi32>], vector<16xf32>, vector<16xi1>
    %get3A_145 = arith.constant 64 : index
    %get3A_146 = tpu.vector_load %arg4[%get3A_145] {strides = array<i32>} : memref<256xi32, #tpu.memory_space<vmem>>, vector<16xi32>,
    %sub3A_147 = vector.broadcast %mul3A_32 : i32 to vector<16xi32>
    %sub3A_148 = arith.subi %get3A_146, %sub3A_147 : vector<16xi32>
    %ge3A_149 = vector.broadcast %mul3A_32 : i32 to vector<16xi32>
    %ge3A_150 = arith.cmpi sge, %get3A_146, %ge3A_149 : vector<16xi32>
    %add3A_151 = arith.constant 256 : i32
    %add3A_152 = arith.addi %mul3A_32, %add3A_151 : i32
    %lt3A_153 = vector.broadcast %add3A_152 : i32 to vector<16xi32>
    %lt3A_154 = arith.cmpi slt, %get3A_146, %lt3A_153 : vector<16xi32>
    %and3A_155 = arith.andi %ge3A_150, %lt3A_154 : vector<16xi1>
    %broadcast_in_dim3A_156 = arith.constant 0.000000e+00 : f32
    %broadcast_in_dim3A_157 = vector.broadcast %broadcast_in_dim3A_156 : f32 to vector<16xf32>
    tpu.vector_store_idx %arg5[%sub3A_148], %broadcast_in_dim3A_157 masked %and3A_155 : memref<256xf32, #tpu.memory_space<vmem>>[vector<16xi32>], vector<16xf32>, vector<16xi1>
    %get3A_158 = arith.constant 80 : index
    %get3A_159 = tpu.vector_load %arg4[%get3A_158] {strides = array<i32>} : memref<256xi32, #tpu.memory_space<vmem>>, vector<16xi32>,
    %sub3A_160 = vector.broadcast %mul3A_32 : i32 to vector<16xi32>
    %sub3A_161 = arith.subi %get3A_159, %sub3A_160 : vector<16xi32>
    %ge3A_162 = vector.broadcast %mul3A_32 : i32 to vector<16xi32>
    %ge3A_163 = arith.cmpi sge, %get3A_159, %ge3A_162 : vector<16xi32>
    %add3A_164 = arith.constant 256 : i32
    %add3A_165 = arith.addi %mul3A_32, %add3A_164 : i32
    %lt3A_166 = vector.broadcast %add3A_165 : i32 to vector<16xi32>
    %lt3A_167 = arith.cmpi slt, %get3A_159, %lt3A_166 : vector<16xi32>
    %and3A_168 = arith.andi %ge3A_163, %lt3A_167 : vector<16xi1>
    %broadcast_in_dim3A_169 = arith.constant 0.000000e+00 : f32
    %broadcast_in_dim3A_170 = vector.broadcast %broadcast_in_dim3A_169 : f32 to vector<16xf32>
    tpu.vector_store_idx %arg5[%sub3A_161], %broadcast_in_dim3A_170 masked %and3A_168 : memref<256xf32, #tpu.memory_space<vmem>>[vector<16xi32>], vector<16xf32>, vector<16xi1>
    %get3A_171 = arith.constant 96 : index
    %get3A_172 = tpu.vector_load %arg4[%get3A_171] {strides = array<i32>} : memref<256xi32, #tpu.memory_space<vmem>>, vector<16xi32>,
    %sub3A_173 = vector.broadcast %mul3A_32 : i32 to vector<16xi32>
    %sub3A_174 = arith.subi %get3A_172, %sub3A_173 : vector<16xi32>
    %ge3A_175 = vector.broadcast %mul3A_32 : i32 to vector<16xi32>
    %ge3A_176 = arith.cmpi sge, %get3A_172, %ge3A_175 : vector<16xi32>
    %add3A_177 = arith.constant 256 : i32
    %add3A_178 = arith.addi %mul3A_32, %add3A_177 : i32
    %lt3A_179 = vector.broadcast %add3A_178 : i32 to vector<16xi32>
    %lt3A_180 = arith.cmpi slt, %get3A_172, %lt3A_179 : vector<16xi32>
    %and3A_181 = arith.andi %ge3A_176, %lt3A_180 : vector<16xi1>
    %broadcast_in_dim3A_182 = arith.constant 0.000000e+00 : f32
    %broadcast_in_dim3A_183 = vector.broadcast %broadcast_in_dim3A_182 : f32 to vector<16xf32>
    tpu.vector_store_idx %arg5[%sub3A_174], %broadcast_in_dim3A_183 masked %and3A_181 : memref<256xf32, #tpu.memory_space<vmem>>[vector<16xi32>], vector<16xf32>, vector<16xi1>
    %get3A_184 = arith.constant 112 : index
    %get3A_185 = tpu.vector_load %arg4[%get3A_184] {strides = array<i32>} : memref<256xi32, #tpu.memory_space<vmem>>, vector<16xi32>,
    %sub3A_186 = vector.broadcast %mul3A_32 : i32 to vector<16xi32>
    %sub3A_187 = arith.subi %get3A_185, %sub3A_186 : vector<16xi32>
    %ge3A_188 = vector.broadcast %mul3A_32 : i32 to vector<16xi32>
    %ge3A_189 = arith.cmpi sge, %get3A_185, %ge3A_188 : vector<16xi32>
    %add3A_190 = arith.constant 256 : i32
    %add3A_191 = arith.addi %mul3A_32, %add3A_190 : i32
    %lt3A_192 = vector.broadcast %add3A_191 : i32 to vector<16xi32>
    %lt3A_193 = arith.cmpi slt, %get3A_185, %lt3A_192 : vector<16xi32>
    %and3A_194 = arith.andi %ge3A_189, %lt3A_193 : vector<16xi1>
    %broadcast_in_dim3A_195 = arith.constant 0.000000e+00 : f32
    %broadcast_in_dim3A_196 = vector.broadcast %broadcast_in_dim3A_195 : f32 to vector<16xf32>
    tpu.vector_store_idx %arg5[%sub3A_187], %broadcast_in_dim3A_196 masked %and3A_194 : memref<256xf32, #tpu.memory_space<vmem>>[vector<16xi32>], vector<16xf32>, vector<16xi1>
    %get3A_197 = arith.constant 128 : index
    %get3A_198 = tpu.vector_load %arg4[%get3A_197] {strides = array<i32>} : memref<256xi32, #tpu.memory_space<vmem>>, vector<16xi32>,
    %sub3A_199 = vector.broadcast %mul3A_32 : i32 to vector<16xi32>
    %sub3A_200 = arith.subi %get3A_198, %sub3A_199 : vector<16xi32>
    %ge3A_201 = vector.broadcast %mul3A_32 : i32 to vector<16xi32>
    %ge3A_202 = arith.cmpi sge, %get3A_198, %ge3A_201 : vector<16xi32>
    %add3A_203 = arith.constant 256 : i32
    %add3A_204 = arith.addi %mul3A_32, %add3A_203 : i32
    %lt3A_205 = vector.broadcast %add3A_204 : i32 to vector<16xi32>
    %lt3A_206 = arith.cmpi slt, %get3A_198, %lt3A_205 : vector<16xi32>
    %and3A_207 = arith.andi %ge3A_202, %lt3A_206 : vector<16xi1>
    %broadcast_in_dim3A_208 = arith.constant 0.000000e+00 : f32
    %broadcast_in_dim3A_209 = vector.broadcast %broadcast_in_dim3A_208 : f32 to vector<16xf32>
    tpu.vector_store_idx %arg5[%sub3A_200], %broadcast_in_dim3A_209 masked %and3A_207 : memref<256xf32, #tpu.memory_space<vmem>>[vector<16xi32>], vector<16xf32>, vector<16xi1>
    %get3A_210 = arith.constant 144 : index
    %get3A_211 = tpu.vector_load %arg4[%get3A_210] {strides = array<i32>} : memref<256xi32, #tpu.memory_space<vmem>>, vector<16xi32>,
    %sub3A_212 = vector.broadcast %mul3A_32 : i32 to vector<16xi32>
    %sub3A_213 = arith.subi %get3A_211, %sub3A_212 : vector<16xi32>
    %ge3A_214 = vector.broadcast %mul3A_32 : i32 to vector<16xi32>
    %ge3A_215 = arith.cmpi sge, %get3A_211, %ge3A_214 : vector<16xi32>
    %add3A_216 = arith.constant 256 : i32
    %add3A_217 = arith.addi %mul3A_32, %add3A_216 : i32
    %lt3A_218 = vector.broadcast %add3A_217 : i32 to vector<16xi32>
    %lt3A_219 = arith.cmpi slt, %get3A_211, %lt3A_218 : vector<16xi32>
    %and3A_220 = arith.andi %ge3A_215, %lt3A_219 : vector<16xi1>
    %broadcast_in_dim3A_221 = arith.constant 0.000000e+00 : f32
    %broadcast_in_dim3A_222 = vector.broadcast %broadcast_in_dim3A_221 : f32 to vector<16xf32>
    tpu.vector_store_idx %arg5[%sub3A_213], %broadcast_in_dim3A_222 masked %and3A_220 : memref<256xf32, #tpu.memory_space<vmem>>[vector<16xi32>], vector<16xf32>, vector<16xi1>
    %get3A_223 = arith.constant 160 : index
    %get3A_224 = tpu.vector_load %arg4[%get3A_223] {strides = array<i32>} : memref<256xi32, #tpu.memory_space<vmem>>, vector<16xi32>,
    %sub3A_225 = vector.broadcast %mul3A_32 : i32 to vector<16xi32>
    %sub3A_226 = arith.subi %get3A_224, %sub3A_225 : vector<16xi32>
    %ge3A_227 = vector.broadcast %mul3A_32 : i32 to vector<16xi32>
    %ge3A_228 = arith.cmpi sge, %get3A_224, %ge3A_227 : vector<16xi32>
    %add3A_229 = arith.constant 256 : i32
    %add3A_230 = arith.addi %mul3A_32, %add3A_229 : i32
    %lt3A_231 = vector.broadcast %add3A_230 : i32 to vector<16xi32>
    %lt3A_232 = arith.cmpi slt, %get3A_224, %lt3A_231 : vector<16xi32>
    %and3A_233 = arith.andi %ge3A_228, %lt3A_232 : vector<16xi1>
    %broadcast_in_dim3A_234 = arith.constant 0.000000e+00 : f32
    %broadcast_in_dim3A_235 = vector.broadcast %broadcast_in_dim3A_234 : f32 to vector<16xf32>
    tpu.vector_store_idx %arg5[%sub3A_226], %broadcast_in_dim3A_235 masked %and3A_233 : memref<256xf32, #tpu.memory_space<vmem>>[vector<16xi32>], vector<16xf32>, vector<16xi1>
    %get3A_236 = arith.constant 176 : index
    %get3A_237 = tpu.vector_load %arg4[%get3A_236] {strides = array<i32>} : memref<256xi32, #tpu.memory_space<vmem>>, vector<16xi32>,
    %sub3A_238 = vector.broadcast %mul3A_32 : i32 to vector<16xi32>
    %sub3A_239 = arith.subi %get3A_237, %sub3A_238 : vector<16xi32>
    %ge3A_240 = vector.broadcast %mul3A_32 : i32 to vector<16xi32>
    %ge3A_241 = arith.cmpi sge, %get3A_237, %ge3A_240 : vector<16xi32>
    %add3A_242 = arith.constant 256 : i32
    %add3A_243 = arith.addi %mul3A_32, %add3A_242 : i32
    %lt3A_244 = vector.broadcast %add3A_243 : i32 to vector<16xi32>
    %lt3A_245 = arith.cmpi slt, %get3A_237, %lt3A_244 : vector<16xi32>
    %and3A_246 = arith.andi %ge3A_241, %lt3A_245 : vector<16xi1>
    %broadcast_in_dim3A_247 = arith.constant 0.000000e+00 : f32
    %broadcast_in_dim3A_248 = vector.broadcast %broadcast_in_dim3A_247 : f32 to vector<16xf32>
    tpu.vector_store_idx %arg5[%sub3A_239], %broadcast_in_dim3A_248 masked %and3A_246 : memref<256xf32, #tpu.memory_space<vmem>>[vector<16xi32>], vector<16xf32>, vector<16xi1>
    %get3A_249 = arith.constant 192 : index
    %get3A_250 = tpu.vector_load %arg4[%get3A_249] {strides = array<i32>} : memref<256xi32, #tpu.memory_space<vmem>>, vector<16xi32>,
    %sub3A_251 = vector.broadcast %mul3A_32 : i32 to vector<16xi32>
    %sub3A_252 = arith.subi %get3A_250, %sub3A_251 : vector<16xi32>
    %ge3A_253 = vector.broadcast %mul3A_32 : i32 to vector<16xi32>
    %ge3A_254 = arith.cmpi sge, %get3A_250, %ge3A_253 : vector<16xi32>
    %add3A_255 = arith.constant 256 : i32
    %add3A_256 = arith.addi %mul3A_32, %add3A_255 : i32
    %lt3A_257 = vector.broadcast %add3A_256 : i32 to vector<16xi32>
    %lt3A_258 = arith.cmpi slt, %get3A_250, %lt3A_257 : vector<16xi32>
    %and3A_259 = arith.andi %ge3A_254, %lt3A_258 : vector<16xi1>
    %broadcast_in_dim3A_260 = arith.constant 0.000000e+00 : f32
    %broadcast_in_dim3A_261 = vector.broadcast %broadcast_in_dim3A_260 : f32 to vector<16xf32>
    tpu.vector_store_idx %arg5[%sub3A_252], %broadcast_in_dim3A_261 masked %and3A_259 : memref<256xf32, #tpu.memory_space<vmem>>[vector<16xi32>], vector<16xf32>, vector<16xi1>
    %get3A_262 = arith.constant 208 : index
    %get3A_263 = tpu.vector_load %arg4[%get3A_262] {strides = array<i32>} : memref<256xi32, #tpu.memory_space<vmem>>, vector<16xi32>,
    %sub3A_264 = vector.broadcast %mul3A_32 : i32 to vector<16xi32>
    %sub3A_265 = arith.subi %get3A_263, %sub3A_264 : vector<16xi32>
    %ge3A_266 = vector.broadcast %mul3A_32 : i32 to vector<16xi32>
    %ge3A_267 = arith.cmpi sge, %get3A_263, %ge3A_266 : vector<16xi32>
    %add3A_268 = arith.constant 256 : i32
    %add3A_269 = arith.addi %mul3A_32, %add3A_268 : i32
    %lt3A_270 = vector.broadcast %add3A_269 : i32 to vector<16xi32>
    %lt3A_271 = arith.cmpi slt, %get3A_263, %lt3A_270 : vector<16xi32>
    %and3A_272 = arith.andi %ge3A_267, %lt3A_271 : vector<16xi1>
    %broadcast_in_dim3A_273 = arith.constant 0.000000e+00 : f32
    %broadcast_in_dim3A_274 = vector.broadcast %broadcast_in_dim3A_273 : f32 to vector<16xf32>
    tpu.vector_store_idx %arg5[%sub3A_265], %broadcast_in_dim3A_274 masked %and3A_272 : memref<256xf32, #tpu.memory_space<vmem>>[vector<16xi32>], vector<16xf32>, vector<16xi1>
    %get3A_275 = arith.constant 224 : index
    %get3A_276 = tpu.vector_load %arg4[%get3A_275] {strides = array<i32>} : memref<256xi32, #tpu.memory_space<vmem>>, vector<16xi32>,
    %sub3A_277 = vector.broadcast %mul3A_32 : i32 to vector<16xi32>
    %sub3A_278 = arith.subi %get3A_276, %sub3A_277 : vector<16xi32>
    %ge3A_279 = vector.broadcast %mul3A_32 : i32 to vector<16xi32>
    %ge3A_280 = arith.cmpi sge, %get3A_276, %ge3A_279 : vector<16xi32>
    %add3A_281 = arith.constant 256 : i32
    %add3A_282 = arith.addi %mul3A_32, %add3A_281 : i32
    %lt3A_283 = vector.broadcast %add3A_282 : i32 to vector<16xi32>
    %lt3A_284 = arith.cmpi slt, %get3A_276, %lt3A_283 : vector<16xi32>
    %and3A_285 = arith.andi %ge3A_280, %lt3A_284 : vector<16xi1>
    %broadcast_in_dim3A_286 = arith.constant 0.000000e+00 : f32
    %broadcast_in_dim3A_287 = vector.broadcast %broadcast_in_dim3A_286 : f32 to vector<16xf32>
    tpu.vector_store_idx %arg5[%sub3A_278], %broadcast_in_dim3A_287 masked %and3A_285 : memref<256xf32, #tpu.memory_space<vmem>>[vector<16xi32>], vector<16xf32>, vector<16xi1>
    %get3A_288 = arith.constant 240 : index
    %get3A_289 = tpu.vector_load %arg4[%get3A_288] {strides = array<i32>} : memref<256xi32, #tpu.memory_space<vmem>>, vector<16xi32>,
    %sub3A_290 = vector.broadcast %mul3A_32 : i32 to vector<16xi32>
    %sub3A_291 = arith.subi %get3A_289, %sub3A_290 : vector<16xi32>
    %ge3A_292 = vector.broadcast %mul3A_32 : i32 to vector<16xi32>
    %ge3A_293 = arith.cmpi sge, %get3A_289, %ge3A_292 : vector<16xi32>
    %add3A_294 = arith.constant 256 : i32
    %add3A_295 = arith.addi %mul3A_32, %add3A_294 : i32
    %lt3A_296 = vector.broadcast %add3A_295 : i32 to vector<16xi32>
    %lt3A_297 = arith.cmpi slt, %get3A_289, %lt3A_296 : vector<16xi32>
    %and3A_298 = arith.andi %ge3A_293, %lt3A_297 : vector<16xi1>
    %broadcast_in_dim3A_299 = arith.constant 0.000000e+00 : f32
    %broadcast_in_dim3A_300 = vector.broadcast %broadcast_in_dim3A_299 : f32 to vector<16xf32>
    tpu.vector_store_idx %arg5[%sub3A_291], %broadcast_in_dim3A_300 masked %and3A_298 : memref<256xf32, #tpu.memory_space<vmem>>[vector<16xi32>], vector<16xf32>, vector<16xi1>
    %run_scoped3A = arith.constant 0 : i32
    "tpu.region"() ({
      %run_scoped3A_301 = tpu.sem_alloc : memref<!tpu.dma_semaphore, #tpu.memory_space<semaphore_mem>>
      %dma_start3A = tpu.memref_slice %arg3[%select_n3A, %run_scoped3A, %mul3A_32] : memref<4x1x2048xf32, #tpu.memory_space<hbm>> -> memref<1x1x256xf32, #tpu.memory_space<hbm>>
      %dma_start3A_302 = tpu.memref_squeeze %dma_start3A : memref<1x1x256xf32, #tpu.memory_space<hbm>> -> memref<256xf32, #tpu.memory_space<hbm>>
      %dma_start3A_303 = tpu.memref_slice %arg3[%select_n3A, %run_scoped3A, %mul3A_32] : memref<4x1x2048xf32, #tpu.memory_space<hbm>> -> memref<1x1x256xf32, #tpu.memory_space<hbm>>
      %dma_start3A_304 = tpu.memref_squeeze %dma_start3A_303 : memref<1x1x256xf32, #tpu.memory_space<hbm>> -> memref<256xf32, #tpu.memory_space<hbm>>
      tpu.enqueue_dma source(%arg5 : memref<256xf32, #tpu.memory_space<vmem>>) target(%dma_start3A_304 : memref<256xf32, #tpu.memory_space<hbm>>) target_semaphore(%run_scoped3A_301 : memref<!tpu.dma_semaphore, #tpu.memory_space<semaphore_mem>>)
      %dma_wait3A = tpu.memref_slice %arg3[%select_n3A, %run_scoped3A, %mul3A_32] : memref<4x1x2048xf32, #tpu.memory_space<hbm>> -> memref<1x1x256xf32, #tpu.memory_space<hbm>>
      %dma_wait3A_305 = tpu.memref_squeeze %dma_wait3A : memref<1x1x256xf32, #tpu.memory_space<hbm>> -> memref<256xf32, #tpu.memory_space<hbm>>
      %dma_wait3A_306 = tpu.memref_slice %arg3[%select_n3A, %run_scoped3A, %mul3A_32] : memref<4x1x2048xf32, #tpu.memory_space<hbm>> -> memref<1x1x256xf32, #tpu.memory_space<hbm>>
      %dma_wait3A_307 = tpu.memref_squeeze %dma_wait3A_306 : memref<1x1x256xf32, #tpu.memory_space<hbm>> -> memref<256xf32, #tpu.memory_space<hbm>>
      tpu.wait_dma2 semaphore(%run_scoped3A_301 : memref<!tpu.dma_semaphore, #tpu.memory_space<semaphore_mem>>) src(%arg5 : memref<256xf32, #tpu.memory_space<vmem>>) dst(%dma_wait3A_307 : memref<256xf32, #tpu.memory_space<hbm>>)
      tpu.yield
    }) : () -> ()
    return
  }
}

module attributes {stable_mosaic.version = 14 : i64} {
  func.func @body(%arg0: i32, %arg1: i32, %arg2: memref<1x1024x2048xf32, #tpu.memory_space<vmem>>, %arg3: memref<1x1x2048xf32, #tpu.memory_space<vmem>>, %arg4: memref<1x1024x2048xf32, #tpu.memory_space<vmem>>) attributes {dimension_semantics = [#tpu.dimension_semantics<arbitrary>, #tpu.dimension_semantics<arbitrary>], iteration_bounds = array<i64: 4, 4>, scalar_prefetch = 0 : i64, scratch_operands = 0 : i64, tpu.core_type = #tpu.core_type<tc>, window_params = [{transform_indices = @transform_0, window_bounds = array<i64: 1, 1024, 2048>}, {transform_indices = @transform_1, window_bounds = array<i64: 1, 1, 2048>}, {transform_indices = @transform_2, window_bounds = array<i64: 1, 1024, 2048>}]} {
    %get3A = arith.constant 0 : index
    %get3A_0 = arith.constant 0 : index
    %get3A_1 = arith.constant 0 : index
    %get3A_2 = vector.load %arg2[%get3A, %get3A_0, %get3A_1] : memref<1x1024x2048xf32, #tpu.memory_space<vmem>>, vector<1x1024x2048xf32>
    %get3A_3 = arith.constant 0 : index
    %get3A_4 = arith.constant 0 : index
    %get3A_5 = arith.constant 0 : index
    %get3A_6 = vector.load %arg3[%get3A_3, %get3A_4, %get3A_5] : memref<1x1x2048xf32, #tpu.memory_space<vmem>>, vector<1x1x2048xf32>
    %mul3A = vector.broadcast %get3A_6 : vector<1x1x2048xf32> to vector<1x1024x2048xf32>
    %mul3A_7 = arith.mulf %get3A_2, %mul3A : vector<1x1024x2048xf32>
    %swap3A = arith.constant 0 : index
    %swap3A_8 = arith.constant 0 : index
    %swap3A_9 = arith.constant 0 : index
    %swap3A_10 = vector.load %arg4[%swap3A, %swap3A_8, %swap3A_9] : memref<1x1024x2048xf32, #tpu.memory_space<vmem>>, vector<1x1024x2048xf32>
    tpu.vector_store %arg4[%swap3A, %swap3A_8, %swap3A_9], %mul3A_7 {strides = array<i32>} : memref<1x1024x2048xf32, #tpu.memory_space<vmem>>, vector<1x1024x2048xf32>,
    return
  }
  func.func @transform_0(%arg0: i32, %arg1: i32) -> (i32, i32, i32) {
    %c0_i32 = arith.constant 0 : i32
    %c0_i32_0 = arith.constant 0 : i32
    return %arg0, %arg1, %c0_i32 : i32, i32, i32
  }
  func.func @transform_1(%arg0: i32, %arg1: i32) -> (i32, i32, i32) {
    %c0_i32 = arith.constant 0 : i32
    %c0_i32_0 = arith.constant 0 : i32
    %c0_i32_1 = arith.constant 0 : i32
    return %arg0, %c0_i32, %c0_i32_0 : i32, i32, i32
  }
  func.func @transform_2(%arg0: i32, %arg1: i32) -> (i32, i32, i32) {
    %c0_i32 = arith.constant 0 : i32
    %c0_i32_0 = arith.constant 0 : i32
    return %arg0, %arg1, %c0_i32 : i32, i32, i32
  }
}

</mosaic_0001>

<sc_bundles>
// kernel: kernel.4.cloned.1.call-start
scs
__scs_entry_jumppad:
0x0: {  	(pc) =	sbr.rel $0x88, $3  }
0x1: {  	(tag) =	ssettag $0x0;
	lr =	simm.s32 $0x1  }
0x2: {  	[smem:$0x3F9F] =	sst lr;
	_ =	strace $0xD0000000  }
0x3: {  	_ = 	snop  }
0x4: {  	_ = 	snop  }
0x5: {  	_ = 	snop  }
0x6: {  	_ = 	snop  }
0x7: {  	_ = 	snop  }
__scs_overlays_trampoline_lowered:
0x8: {  	[smem:$0x3FAE] =	sst s0  }
0x9: {  	[smem:$0x3FAF] =	sst s1  }
0xa: {  	[smem:$0x3FB0] =	sst s2  }
0xb: {  	[smem:$0x3FB1] =	sst s3  }
0xc: {  	[smem:$0x3FB2] =	sst s4  }
0xd: {  	[smem:$0x3FB3] =	sst s5  }
0xe: {  	[smem:$0x3FB4] =	sst s6  }
0xf: {  	[smem:$0x3FB5] =	sst s7  }
0x10: {  	[smem:$0x3FB6] =	sst s8  }
0x11: {  	[smem:$0x3FB7] =	sst s9;
	s0 =	simm.s32 @!p0 $0x0  }
0x12: {  	s1 =	sld [smem:$0x3F9D];
	s0 =	simm.s32 @p0 $0x1  }
0x13: {  	[smem:$0x3FB8] =	sst s0;
	s0 =	simm.s32 @!p1 $0x0  }
0x14: {  	s2 =	sld [smem:$0x3F9C];
	s0 =	simm.s32 @p1 $0x1  }
0x15: {  	[smem:$0x3FB9] =	sst s0;
	s0 =	simm.s32 @!p2 $0x0  }
0x16: {  	s3 =	sld [smem:$0x3FDB];
	s0 =	simm.s32 @p2 $0x1  }
0x17: {  	s4 =	simm.s32 $0x1BF5;
	[smem:$0x3FBB] =	sst s0  }
0x18: {  	s0 =	sld [smem:$0x3F9E];
	_ =	swait.ge [sflag:s4], $0x0  }
0x19: {  	s7 =	sld [smem:$0x3F9F]  }
0x1a: {  	s8 =	sadd.s32 $0xFFFFE003, lr  }
0x1b: {  	s9 =	sadd.s32 $0xFFFFFEF7, lr;
	s5 =	simm.s32 $0xFFFFFFFF;
	p2 =	slt.u32 s8, $0xFFFFF086  }
0x1c: {  	p1 =	slt.u32 s9, $0xF7A;
	s5 =	simm.s32 @!p2 $0x0  }
0x1d: {  	s5 =	simm.s32 @p1 $0x1;
	p0 =	seq.s32 s7, s2  }
0x1e: {  	s7 =	smul.u32 @!p0 $0xF7A, s2;
	p2 =	seq.s32 @!p0 s5, $0x0  }
0x1f: {  	s9 =	smul.u32 $0xF7A, s1;
	s8 =	simm.s32 @!p0 $0x1BF5;
	p2 =	por !p2, p0  }
0x20: {  	[sflag:s8] =	ssyncset.s32 @!p0 $0xFFFFF086;
	s6 =	sadd.s32 @!p0 s3, s7;
	s7 =	simm.s32 @!p0 $0x108  }
0x21: {  	s3 =	sadd.s32 s3, s9;
	s6 =	sadd.s32 @!p0 $0x88, s6;
	s7 =	simm.s32 @p2 $0x1082  }
0x22: {  	[simem:s7], [sflag:s8] =	dma.local @!p0 [hbm:s6], $0xF7A  }
0x23: {  	s9 =	sor.u32 $0xD0000000, s2;
	s6 =	simm.s32 $0x108;
	_ =	swait.ge @!p0 [sflag:s8], $0x0  }
0x24: {  	s3 =	sadd.s32 $0x88, s3;
	s6 =	simm.s32 @!p1 $0x1082;
	[sflag:s4] =	ssyncset.s32 $0xFFFFF086  }
0x25: {  	[simem:s6], [sflag:s4] =	dma.local [hbm:s3], $0xF7A  }
0x26: {  	[smem:$0x3F9F] =	sst s1;
	(tag) =	ssettag s2;
	_ =	strace s9  }
0x27: {  	s1 =	sld [smem:$0x3FAF]  }
0x28: {  	s2 =	sld [smem:$0x3FB0]  }
0x29: {  	s4 =	sld [smem:$0x3FB2]  }
0x2a: {  	p0 =	seq.s32 s5, $0x0;
	s5 =	sld [smem:$0x3FB3]  }
0x2b: {  	s6 =	sld [smem:$0x3FB4]  }
0x2c: {  	s7 =	sld [smem:$0x3FB5]  }
0x2d: {  	s3 =	simm.s32 $0x108;
	s8 =	sld [smem:$0x3FB6]  }
0x2e: {  	s3 =	simm.s32 @!p0 $0x1082;
	s9 =	sld [smem:$0x3FB7]  }
0x2f: {  	lr =	sadd.s32 s0, s3;
	s0 =	sld [smem:$0x3FAE]  }
0x30: {  	s3 =	sld [smem:$0x3FB1]  }
0x31: {  	[smem:$0x3FBA] =	sst s10  }
0x32: {  	s10 =	sld [smem:$0x3FB8];
	_ =	sdelay $0x3  }
0x33: {  	p0 =	seq.s32 s10, $0x1;
	s10 =	sld [smem:$0x3FBA];
	_ =	sdelay $0x3  }
0x34: {  	[smem:$0x3FBA] =	sst s10  }
0x35: {  	s10 =	sld [smem:$0x3FB9];
	_ =	sdelay $0x3  }
0x36: {  	p1 =	seq.s32 s10, $0x1;
	s10 =	sld [smem:$0x3FBA];
	_ =	sdelay $0x3  }
0x37: {  	[smem:$0x3FBA] =	sst s10  }
0x38: {  	s10 =	sld [smem:$0x3FBB]  }
0x39: {  	_ = 	snop;
	(pc) =	sbr.ind lr, $3  }
0x3a: {  	_ = 	snop  }
0x3b: {  	_ = 	snop  }
0x3c: {  	p2 =	seq.s32 s10, $0x1;
	s10 =	sld [smem:$0x3FBA]  }
0x3d: {  	_ =	shalt  }
0x3e: {  	_ =	shalt  }
0x3f: {  	_ =	shalt  }
0x40: {  	_ =	shalt  }
0x41: {  	_ =	shalt  }
0x42: {  	_ =	shalt  }
0x43: {  	_ =	shalt  }
0x44: {  	_ =	shalt  }
0x45: {  	_ =	shalt  }
0x46: {  	_ =	shalt  }
0x47: {  	_ =	shalt  }
0x48: {  	_ =	shalt  }
0x49: {  	_ =	shalt  }
0x4a: {  	_ =	shalt  }
0x4b: {  	_ =	shalt  }
0x4c: {  	_ =	shalt  }
0x4d: {  	_ =	shalt  }
0x4e: {  	_ =	shalt  }
0x4f: {  	_ =	shalt  }
0x50: {  	_ =	shalt  }
0x51: {  	_ =	shalt  }
0x52: {  	_ =	shalt  }
0x53: {  	_ =	shalt  }
0x54: {  	_ =	shalt  }
0x55: {  	_ =	shalt  }
0x56: {  	_ =	shalt  }
0x57: {  	_ =	shalt  }
0x58: {  	_ =	shalt  }
0x59: {  	_ =	shalt  }
0x5a: {  	_ =	shalt  }
0x5b: {  	_ =	shalt  }
0x5c: {  	_ =	shalt  }
0x5d: {  	_ =	shalt  }
0x5e: {  	_ =	shalt  }
0x5f: {  	_ =	shalt  }
0x60: {  	_ =	shalt  }
0x61: {  	_ =	shalt  }
0x62: {  	_ =	shalt  }
0x63: {  	_ =	shalt  }
0x64: {  	_ =	shalt  }
0x65: {  	_ =	shalt  }
0x66: {  	_ =	shalt  }
0x67: {  	_ =	shalt  }
0x68: {  	_ =	shalt  }
0x69: {  	_ =	shalt  }
0x6a: {  	_ =	shalt  }
0x6b: {  	_ =	shalt  }
0x6c: {  	_ =	shalt  }
0x6d: {  	_ =	shalt  }
0x6e: {  	_ =	shalt  }
0x6f: {  	_ =	shalt  }
0x70: {  	_ =	shalt  }
0x71: {  	_ =	shalt  }
0x72: {  	_ =	shalt  }
0x73: {  	_ =	shalt  }
0x74: {  	_ =	shalt  }
0x75: {  	_ =	shalt  }
0x76: {  	_ =	shalt  }
0x77: {  	_ =	shalt  }
0x78: {  	_ =	shalt  }
0x79: {  	_ =	shalt  }
0x7a: {  	_ =	shalt  }
0x7b: {  	_ =	shalt  }
0x7c: {  	_ =	shalt  }
0x7d: {  	_ =	shalt  }
0x7e: {  	_ =	shalt  }
0x7f: {  	_ =	shalt  }
0x80: {  	_ =	shalt  }
0x81: {  	_ =	shalt  }
0x82: {  	_ =	shalt  }
0x83: {  	_ =	shalt  }
0x84: {  	_ =	shalt  }
0x85: {  	_ =	shalt  }
0x86: {  	_ =	shalt  }
0x87: {  	_ =	shalt  }
.Lfunc_end0:
.L_simem_size_0:
called_computation_lowered:
.L_overlay_start_0:
0x88: {  	s2 =	sld [smem:$0x3FD9]  }
0x89: {  	s3 =	sld [smem:$0x3FFE];
	_ =	sdelay $0x1  }
0x8a: {  	s1 =	srdreg.scid  }
0x8b: {  	s0 =	sand.u32 $0x1, s1  }
0x8c: {  	s18 =	sshll.u32 s0, $0xA;
	s2 =	sadd.s32 s3, s2  }
0x8d: {  	s2 =	sadd.s32 s2, s18  }
0x8e: {  	[smem:$0x3FC6] =	sst s2  }
0x8f: {  	_ = 	snop  }
0x90: {  	s2 =	sld [smem:$0x3FC8]  }
0x91: {  	s19 =	sld [smem:$0x3FD0];
	(tm) =	ssettm $0x1  }
0x92: {  	s4 =	sld [smem:$0x3FFB];
	_ =	sdelay $0x3  }
0x93: {  	_ =	strace s4  }
0x94: {  	s4 =	sld [smem:$0x3FFC];
	_ =	sdelay $0x3  }
0x95: {  	_ =	strace s4  }
0x96: {  	s4 =	sld [smem:$0x3FFD];
	_ =	sdelay $0x3  }
0x97: {  	_ =	strace s4  }
0x98: {  	_ =	strace $0x8FFFFFFF  }
0x99: {  	s20 =	sld [smem:$0x3FDB];
	_ =	sdelay $0x1  }
0x9a: {  	s5 =	simm.s32 $_scs_section_size  }
0x9b: {  	s6 =	simm.s32 $_size__tile_overlayer_lowered;
	s7 =	simm.s32 $_tile_overlayer_lowered  }
0x9c: {  	s23 =	simm.s32 $0x1BFF;
	s22 =	sshll.u32 s7, $0x1;
	s4 =	sadd.s32 s5, s20  }
0x9d: {  	s8 =	simm.s32 $0x0;
	s21 =	sshll.u32 s6, $0x1;
	s6 =	sadd.s32 s22, s4  }
0x9e: {  	[timem:s8], [sflag:s23] =	dma.local [hbm:s6], s21  }
0x9f: {  	_ =	swait.ge [sflag:s23], s21  }
0xa0: {  	s5 =	ssub.s32 $0x0, s21;
	[sflag:s23] =	ssyncset.done $0x0  }
0xa1: {  	[sflag:s23] =	ssyncadd.s32 s5;
	_ =	sdelay $0x1  }
0xa2: {  	s24 =	simm.s32 $0x1B8B  }
0xa3: {  	_ =	swait.ge [sflag:s24], $0x1  }
0xa4: {  	[sflag:s24] =	ssyncset.done $0x0  }
0xa5: {  	s25 =	simm.s32 $0x1B8E;
	[sflag:s24] =	ssyncadd.s32 $0xFFFFFFFF  }
0xa6: {  	s26 =	simm.s32 $execute0_lowered;
	[smem:$0x3FD2] =	sst s25  }
0xa7: {  	s5 =	sshll.u32 s26, $0x1;
	_ =	strace $0x80000046;
	[dreg:$0x1] =	wrdreg $0xFFFFFFFF  }
0xa8: {  	s28 =	simm.s32 $_size_execute0_lowered;
	s4 =	sadd.s32 s4, s5;
	[dreg:$0x0] =	wrdreg $0x0  }
0xa9: {  	s5 =	sshll.u32 s28, $0x1;
	[dreg:$0x2] =	wrdreg s4  }
0xaa: {  	[dreg:$0x3] =	wrdreg s5  }
0xab: {  	[dreg:$0x4] =	wrdreg $0xC0  }
0xac: {  	_ =	task [dreg:s8], $0x5FFFF  }
0xad: {  	[dreg:$0x1] =	wrdreg $0xFFFFFFFF  }
0xae: {  	[dreg:$0x0] =	wrdreg $0x60  }
0xaf: {  	[dreg:$0x2] =	wrdreg s2  }
0xb0: {  	[dreg:$0x3] =	wrdreg s19  }
0xb1: {  	[dreg:$0x4] =	wrdreg $0x9  }
0xb2: {  	_ =	task.clear_ibuf [dreg:s8], $0x5FFFF;
	_ =	strace $0x90000046  }
0xb3: {  	s29 =	simm.s32 $0x9;
	_ =	strace $0x80000048  }
0xb4: {  	_ =	swait.ge [sflag:s29], $0x1  }
0xb5: {  	[sflag:s29] =	ssyncadd.s32 $0xFFFFFFFF  }
0xb6: {  	_ =	strace $0x90000048  }
0xb7: {  	_ =	sfence  }
0xb8: {  	s30 =	sld [smem:$0x0];
	_ =	sdelay $0x2  }
0xb9: {  	s31 =	sshll.u32 s1, $0xD;
	s1 =	sshrl.u32 s1, $0x2  }
0xba: {  	s3 =	sand.u32 $0x4000, s31;
	s1 =	sadd.s32 s1, s30  }
0xbb: {  	s0 =	sor.u32 s3, s0;
	s1 =	sshll.u32 s1, $0x11  }
0xbc: {  	s0 =	sor.u32 s1, s0  }
0xbd: {  	s0 =	sadd.s32 $0x8F2B, s0  }
0xbe: {  	[sflag:s0] =	ssyncadd.remote.s32 $0x1  }
0xbf: {  	_ =	sfence.sel $0xFFFF  }
0xc0: {  	[dreg:$0x0] =	wrdreg $0xFFFFFFFF;
	(pc) =	sbr.abs _section_cstart, $3  }
0xc1: {  	[dreg:$0x1] =	wrdreg $0xFFFFFFFF  }
0xc2: {  	_ =	task.clear_ibuf [dreg:s8], $0x2FFFF;
	_ =	strace $0x9FFFFFFF  }
0xc3: {  	(tm) =	ssettm $0x7FFFFFFF  }
tec
execute0_lowered:
.L_overlay_start_1:
0x0: {  	(tag) =	ssettag $0x1  }
0x1: {  	s3 =	rddreg [dreg:$0x0]  }
0x2: {  	s4 =	rddreg [dreg:$0x1]  }
0x3: {  	s0 =	rddreg [dreg:$0x2];
	s2 =	simm.s32 $0x0;
	s1 =	stileid.u32  }
0x4: {  	s5 =	srdreg.scid;
	[smem:$0x7FF] =	sst s2;
	s6 =	sshll.u32 s1, $0x1  }
0x5: {  	s5 =	sand.u32 $0x1, s5;
	s8 =	sshrl.u32 s1, $0x2;
	_ =	strace $0x80000047  }
0x6: {  	s6 =	sand.u32 $0x6, s6;
	s7 =	ssub.s32 $0x2, s5;
	s9 =	sshll.u32 s8, $0xB  }
0x7: {  	s29 =	sshll.u32 s8, $0x4;
	s5 =	sor.u32 s5, s6;
	s28 =	sshrl.u32 s7, $0x1  }
0x8: {  	s3 =	sadd.s32 s3, s29;
	s5 =	sshll.u32 s5, $0x8;
	s6 =	ssub.s32 s7, s28  }
0x9: {  	s7 =	simm.s32 $0x200;
	s30 =	sor.u32 s9, s5;
	s31 =	sadd.s32 $0x100, s5  }
0xa: {  	v0 =	vmov s5;
	s5 =	smax.u32 s6, $0x1;
	s6 =	simm.s32 $0x80;
	s8 =	sshrl.u32 s30, $0x3  }
0xb: {  	v2 =	vimm.f32 $1.142857190e+00;
	v3 =	vimm.f32 $0.0e+00;
	s9 =	simm.s32 $0x100;
	v1 =	vmov s31;
	s4 =	sadd.s32 s4, s8;
	s8 =	simm.s32 $0x1  }
.LBB2_1:
0xc: {  	[tilespmem:s2], [sflag:$0x1] =	stream.strided.gather [hbm4b:s3+s6], $0x100, s7, s6, $0x38;
	[tilespmem:$0x200] =	vst v63  }
0xd: {  	_ =	swait.ge [sflag:s8], $0x100  }
0xe: {  	[sflag:s8] =	ssyncset.done $0x0  }
0xf: {  	[sflag:s8] =	ssyncadd.s32 $0xFFFFFF00  }
0x10: {  	[tilespmem:$0x100] =	vst v2  }
0x11: {  	[tilespmem:$0x110] =	vst v2  }
0x12: {  	[tilespmem:$0x120] =	vst v2  }
0x13: {  	[tilespmem:$0x130] =	vst v2  }
0x14: {  	[tilespmem:$0x140] =	vst v2;
	v4 =	vld [tilespmem:$0x0]  }
0x15: {  	[tilespmem:$0x150] =	vst v2  }
0x16: {  	[tilespmem:$0x160] =	vst v2  }
0x17: {  	[tilespmem:$0x170] =	vst v2  }
0x18: {  	[tilespmem:$0x180] =	vst v2  }
0x19: {  	[tilespmem:$0x190] =	vst v2;
	v5 =	vsub.s32 v4, v0;
	vm0 =	vge.s32 v4, v0;
	vm1 =	vlt.s32 v4, v1  }
0x1a: {  	[tilespmem:$0x1A0] =	vst v2;
	v4 =	vand.u32 $0x7F, v4;
	vm0 =	vmand vm0, vm1;
	v5 =	vand.u32 $0xFFFFFF80, v5  }
0x1b: {  	[tilespmem:$0x1B0] =	vst v2;
	v4 =	vor.u32 v4, v5  }
0x1c: {  	[tilespmem:$0x1C0] =	vst v2  }
0x1d: {  	[tilespmem:$0x1D0] =	vst v2  }
0x1e: {  	[tilespmem:$0x1E0] =	vst v2  }
0x1f: {  	[tilespmem:$0x1F0] =	vst v2  }
0x20: {  	[tilespmem:v4+s9+$0x0] =	vst.idx.msk vm0, v3  }
0x21: {  	v4 =	vld [tilespmem:$0x10];
	_ =	sdelay $0x4  }
0x22: {  	v5 =	vsub.s32 v4, v0;
	vm10 =	vge.s32 v4, v0;
	vm11 =	vlt.s32 v4, v1  }
0x23: {  	v4 =	vand.u32 $0x7F, v4;
	vm0 =	vmand vm10, vm11;
	v5 =	vand.u32 $0xFFFFFF80, v5  }
0x24: {  	v4 =	vor.u32 v4, v5;
	_ =	sdelay $0x4  }
0x25: {  	[tilespmem:v4+s9+$0x0] =	vst.idx.msk vm0, v3  }
0x26: {  	v4 =	vld [tilespmem:$0x20];
	_ =	sdelay $0x4  }
0x27: {  	v5 =	vsub.s32 v4, v0;
	vm12 =	vge.s32 v4, v0;
	vm13 =	vlt.s32 v4, v1  }
0x28: {  	v4 =	vand.u32 $0x7F, v4;
	vm0 =	vmand vm12, vm13;
	v5 =	vand.u32 $0xFFFFFF80, v5  }
0x29: {  	v4 =	vor.u32 v4, v5;
	_ =	sdelay $0x4  }
0x2a: {  	[tilespmem:v4+s9+$0x0] =	vst.idx.msk vm0, v3  }
0x2b: {  	v4 =	vld [tilespmem:$0x30];
	_ =	sdelay $0x4  }
0x2c: {  	v5 =	vsub.s32 v4, v0;
	vm14 =	vge.s32 v4, v0;
	vm15 =	vlt.s32 v4, v1  }
0x2d: {  	v4 =	vand.u32 $0x7F, v4;
	vm0 =	vmand vm14, vm15;
	v5 =	vand.u32 $0xFFFFFF80, v5  }
0x2e: {  	v4 =	vor.u32 v4, v5;
	_ =	sdelay $0x4  }
0x2f: {  	[tilespmem:v4+s9+$0x0] =	vst.idx.msk vm0, v3  }
0x30: {  	v4 =	vld [tilespmem:$0x40];
	_ =	sdelay $0x4  }
0x31: {  	v5 =	vsub.s32 v4, v0;
	vm4 =	vge.s32 v4, v0;
	vm5 =	vlt.s32 v4, v1  }
0x32: {  	v4 =	vand.u32 $0x7F, v4;
	vm0 =	vmand vm4, vm5;
	v5 =	vand.u32 $0xFFFFFF80, v5  }
0x33: {  	v4 =	vor.u32 v4, v5;
	_ =	sdelay $0x4  }
0x34: {  	[tilespmem:v4+s9+$0x0] =	vst.idx.msk vm0, v3  }
0x35: {  	v4 =	vld [tilespmem:$0x50];
	_ =	sdelay $0x4  }
0x36: {  	v5 =	vsub.s32 v4, v0;
	vm6 =	vge.s32 v4, v0;
	vm7 =	vlt.s32 v4, v1  }
0x37: {  	v4 =	vand.u32 $0x7F, v4;
	vm0 =	vmand vm6, vm7;
	v5 =	vand.u32 $0xFFFFFF80, v5  }
0x38: {  	v4 =	vor.u32 v4, v5;
	_ =	sdelay $0x4  }
0x39: {  	[tilespmem:v4+s9+$0x0] =	vst.idx.msk vm0, v3  }
0x3a: {  	v4 =	vld [tilespmem:$0x60];
	_ =	sdelay $0x4  }
0x3b: {  	v5 =	vsub.s32 v4, v0;
	vm8 =	vge.s32 v4, v0;
	vm9 =	vlt.s32 v4, v1  }
0x3c: {  	v4 =	vand.u32 $0x7F, v4;
	vm0 =	vmand vm8, vm9;
	v5 =	vand.u32 $0xFFFFFF80, v5  }
0x3d: {  	v4 =	vor.u32 v4, v5;
	_ =	sdelay $0x4  }
0x3e: {  	[tilespmem:v4+s9+$0x0] =	vst.idx.msk vm0, v3  }
0x3f: {  	v4 =	vld [tilespmem:$0x70];
	_ =	sdelay $0x4  }
0x40: {  	v5 =	vsub.s32 v4, v0;
	vm10 =	vge.s32 v4, v0;
	vm11 =	vlt.s32 v4, v1  }
0x41: {  	v4 =	vand.u32 $0x7F, v4;
	vm0 =	vmand vm10, vm11;
	v5 =	vand.u32 $0xFFFFFF80, v5  }
0x42: {  	v4 =	vor.u32 v4, v5;
	_ =	sdelay $0x4  }
0x43: {  	[tilespmem:v4+s9+$0x0] =	vst.idx.msk vm0, v3  }
0x44: {  	v4 =	vld [tilespmem:$0x80];
	_ =	sdelay $0x4  }
0x45: {  	v5 =	vsub.s32 v4, v0;
	vm12 =	vge.s32 v4, v0;
	vm13 =	vlt.s32 v4, v1  }
0x46: {  	v4 =	vand.u32 $0x7F, v4;
	vm0 =	vmand vm12, vm13;
	v5 =	vand.u32 $0xFFFFFF80, v5  }
0x47: {  	v4 =	vor.u32 v4, v5;
	_ =	sdelay $0x4  }
0x48: {  	[tilespmem:v4+s9+$0x0] =	vst.idx.msk vm0, v3  }
0x49: {  	v4 =	vld [tilespmem:$0x90];
	_ =	sdelay $0x4  }
0x4a: {  	v5 =	vsub.s32 v4, v0;
	vm14 =	vge.s32 v4, v0;
	vm15 =	vlt.s32 v4, v1  }
0x4b: {  	v4 =	vand.u32 $0x7F, v4;
	vm0 =	vmand vm14, vm15;
	v5 =	vand.u32 $0xFFFFFF80, v5  }
0x4c: {  	v4 =	vor.u32 v4, v5;
	_ =	sdelay $0x4  }
0x4d: {  	[tilespmem:v4+s9+$0x0] =	vst.idx.msk vm0, v3  }
0x4e: {  	v4 =	vld [tilespmem:$0xA0];
	_ =	sdelay $0x4  }
0x4f: {  	v5 =	vsub.s32 v4, v0;
	vm4 =	vge.s32 v4, v0;
	vm5 =	vlt.s32 v4, v1  }
0x50: {  	v4 =	vand.u32 $0x7F, v4;
	vm0 =	vmand vm4, vm5;
	v5 =	vand.u32 $0xFFFFFF80, v5  }
0x51: {  	v4 =	vor.u32 v4, v5;
	_ =	sdelay $0x4  }
0x52: {  	[tilespmem:v4+s9+$0x0] =	vst.idx.msk vm0, v3  }
0x53: {  	v4 =	vld [tilespmem:$0xB0];
	_ =	sdelay $0x4  }
0x54: {  	v5 =	vsub.s32 v4, v0;
	vm6 =	vge.s32 v4, v0;
	vm7 =	vlt.s32 v4, v1  }
0x55: {  	v4 =	vand.u32 $0x7F, v4;
	vm0 =	vmand vm6, vm7;
	v5 =	vand.u32 $0xFFFFFF80, v5  }
0x56: {  	v4 =	vor.u32 v4, v5;
	_ =	sdelay $0x4  }
0x57: {  	[tilespmem:v4+s9+$0x0] =	vst.idx.msk vm0, v3  }
0x58: {  	v4 =	vld [tilespmem:$0xC0];
	_ =	sdelay $0x4  }
0x59: {  	v5 =	vsub.s32 v4, v0;
	vm8 =	vge.s32 v4, v0;
	vm9 =	vlt.s32 v4, v1  }
0x5a: {  	v4 =	vand.u32 $0x7F, v4;
	vm0 =	vmand vm8, vm9;
	v5 =	vand.u32 $0xFFFFFF80, v5  }
0x5b: {  	v4 =	vor.u32 v4, v5;
	_ =	sdelay $0x4  }
0x5c: {  	[tilespmem:v4+s9+$0x0] =	vst.idx.msk vm0, v3  }
0x5d: {  	v4 =	vld [tilespmem:$0xD0];
	_ =	sdelay $0x4  }
0x5e: {  	v5 =	vsub.s32 v4, v0;
	vm10 =	vge.s32 v4, v0;
	vm11 =	vlt.s32 v4, v1  }
0x5f: {  	v4 =	vand.u32 $0x7F, v4;
	vm0 =	vmand vm10, vm11;
	v5 =	vand.u32 $0xFFFFFF80, v5  }
0x60: {  	v4 =	vor.u32 v4, v5;
	_ =	sdelay $0x4  }
0x61: {  	[tilespmem:v4+s9+$0x0] =	vst.idx.msk vm0, v3  }
0x62: {  	v4 =	vld [tilespmem:$0xE0];
	_ =	sdelay $0x4  }
0x63: {  	v5 =	vsub.s32 v4, v0;
	vm12 =	vge.s32 v4, v0;
	vm13 =	vlt.s32 v4, v1  }
0x64: {  	v4 =	vand.u32 $0x7F, v4;
	vm0 =	vmand vm12, vm13;
	v5 =	vand.u32 $0xFFFFFF80, v5  }
0x65: {  	v4 =	vor.u32 v4, v5;
	_ =	sdelay $0x4  }
0x66: {  	[tilespmem:v4+s9+$0x0] =	vst.idx.msk vm0, v3  }
0x67: {  	v4 =	vld [tilespmem:$0xF0];
	_ =	sdelay $0x4  }
0x68: {  	v5 =	vsub.s32 v4, v0;
	vm14 =	vge.s32 v4, v0;
	vm15 =	vlt.s32 v4, v1  }
0x69: {  	v4 =	vand.u32 $0x7F, v4;
	vm0 =	vmand vm14, vm15;
	v5 =	vand.u32 $0xFFFFFF80, v5  }
0x6a: {  	v4 =	vor.u32 v4, v5;
	_ =	sdelay $0x3  }
0x6b: {  	p0 =	sne.s32 s5, $0x1  }
.Ltmp0:
0x6c: {  	[tilespmem:v4+s9+$0x0] =	vst.idx.msk vm0, v3;
	(pc) =	sbr.rel @p0 .LBB2_1-.Ltmp0, $4  }
0x6d: {  	[hbm4b:s4+s2] =	stream.linear.scatter [tilespmem:s9], [sflag:$0x1], $0x100, $0x38;
	[tilespmem:$0x200] =	vst v63  }
0x6e: {  	_ =	swait.ge [sflag:s8], $0x100  }
0x6f: {  	[sflag:s8] =	ssyncset.done $0x0  }
0x70: {  	s5 =	sadd.s32 $0xFFFFFFFF, s5;
	[sflag:s8] =	ssyncadd.s32 $0xFFFFFF00  }
0x71: {  	_ =	sfence.sel $0x180000  }
0x72: {  	[bflag:$0x0] =	sbarrier.arrive $0xFFFF  }
0x73: {  	p0 =	sne.s32 s1, $0x0;
	_ =	strace $0x90000047  }
0x74: {  	s0 =	sadd.s32 @!p0 $0x100000, s0;
	[bflag:$0x2] =	sbarrier.arrive $0xFFFF  }
0x75: {  	[sflag:s0] =	ssyncadd.tile.s32 @!p0 $0x1;
	_ =	shalt  }
.Lfunc_end2:
_tile_overlayer_lowered:
.L_overlay_start_2:
0x76: {  	(tag) =	ssettag $0x2  }
0x77: {  	s0 =	rddreg [dreg:$0x0];
	s2 =	stileid.u32  }
0x78: {  	s1 =	rddreg [dreg:$0x1];
	p0 =	sne.s32 s2, $0x0  }
0x79: {  	s3 =	rddreg [dreg:$0x2];
	[bflag:$0x3] =	sbarrier.arrive $0xFFFF;
	s2 =	simm.s32 @!p0 $0x1C01  }
0x7a: {  	[timem:s3], [sflag:s2] =	dma.local @!p0 [hbm:s0], s1  }
0x7b: {  	s0 =	simm.s32 @!p0 $0x1  }
0x7c: {  	_ =	swait.ge @!p0 [sflag:s0], s1  }
0x7d: {  	s1 =	ssub.s32 @!p0 $0x0, s1;
	[sflag:s0] =	ssyncset.done @!p0 $0x0  }
0x7e: {  	[sflag:s0] =	ssyncadd.s32 @!p0 s1  }
0x7f: {  	[bflag:$0x3] =	sbarrier.arrive $0xFFFF  }
0x80: {  	_ =	shalt  }

</sc_bundles>
